<compile_context>
chip_gen: v7x
topology: tpu7x:2x2x1
jax: 0.10.2.dev20260603
libtpu: 0.0.44.dev20260713+nightly
codegen_flags: <defaults>
</compile_context>

<pallas_src>
import functools

import jax
import jax.numpy as jnp
from jax import lax
from jax.experimental import pallas as pl
from jax.experimental.pallas import tpu as pltpu
from jax.experimental.pallas import tpu_sc as plsc

_BATCH = 16384
_DIM = 16
_NUM_CORES = 2
_NUM_SUBCORES = 16
_NW = _NUM_CORES * _NUM_SUBCORES
_BPW = _BATCH // _NW

_mesh = plsc.VectorSubcoreMesh(core_axis_name="c", subcore_axis_name="s")


@functools.partial(
    pl.kernel,
    out_type=jax.ShapeDtypeStruct((_BATCH,), jnp.float32),
    mesh=_mesh,
    scratch_types=[
        pltpu.VMEM((_BPW,), jnp.int32),
        pltpu.VMEM((_BPW,), jnp.int32),
        pltpu.VMEM((_BPW, _DIM), jnp.float32),
        pltpu.VMEM((_BPW, _DIM), jnp.float32),
        pltpu.VMEM((_BPW,), jnp.float32),
        pltpu.SemaphoreType.DMA,
    ],
    compiler_params=pltpu.CompilerParams(
        needs_layout_passes=False, use_tc_tiling_on_sc=False
    ),
)
def _mf_kernel(s_idx_hbm, u_idx_hbm, s_tab_hbm, u_tab_hbm, out_hbm,
               s_idx_v, u_idx_v, s_rows_v, u_rows_v, out_v, sem):
    wid = lax.axis_index("s") * _NUM_CORES + lax.axis_index("c")
    base = wid * _BPW
    pltpu.sync_copy(s_idx_hbm.at[pl.ds(base, _BPW)], s_idx_v)
    pltpu.sync_copy(u_idx_hbm.at[pl.ds(base, _BPW)], u_idx_v)
    g1 = pltpu.async_copy(s_tab_hbm.at[s_idx_v], s_rows_v, sem)
    g2 = pltpu.async_copy(u_tab_hbm.at[u_idx_v], u_rows_v, sem)
    g1.wait()
    g2.wait()

    lane = lax.iota(jnp.int32, _DIM)
    cols = [(lane + d) & (_DIM - 1) for d in range(_DIM)]

    def group_body(g, carry):
        row = g * _DIM
        row_ids = row + lane
        acc = jnp.zeros((_DIM,), jnp.float32)
        for d in range(_DIM):
            s_col = plsc.load_gather(s_rows_v, [row_ids, cols[d]])
            u_col = plsc.load_gather(u_rows_v, [row_ids, cols[d]])
            acc = acc + s_col * u_col
        out_v[pl.ds(row, _DIM)] = acc
        return carry

    lax.fori_loop(0, _BPW // _DIM, group_body, 0)
    pltpu.sync_copy(out_v, out_hbm.at[pl.ds(base, _BPW)])


def kernel(student_idx, subject_idx, student_table, subject_table):
    return _mf_kernel(student_idx, subject_idx, student_table, subject_table)

# --- scband reference (transcript-rebuilt; emitter-appended) ---
"""Pipeline reference for scband-matrix-factorization-34746285425027 (READ-ONLY COPY).

The authoritative reference and input builder live on the scoring server;
editing this copy changes nothing except your own understanding.
"""

import jax, jax.numpy as jnp
import numpy as np

NUM_STUDENTS = 1000000
NUM_SUBJECTS = 100000
EMBED_DIM = 16
BATCH = 16384


def setup_inputs(seed: int = 0) -> dict:
    key = jax.random.key(seed)
    k1, k2, k3, k4 = jax.random.split(key, 4)
    student_idx = jax.random.randint(k1, (BATCH,), 0, NUM_STUDENTS, dtype=jnp.int64 if jax.config.jax_enable_x64 else jnp.int32)
    subject_idx = jax.random.randint(k2, (BATCH,), 0, NUM_SUBJECTS, dtype=jnp.int64 if jax.config.jax_enable_x64 else jnp.int32)
    student_table = jax.random.normal(k3, (NUM_STUDENTS, EMBED_DIM), dtype=jnp.float32)
    subject_table = jax.random.normal(k4, (NUM_SUBJECTS, EMBED_DIM), dtype=jnp.float32)
    return {
        "student_idx": student_idx,
        "subject_idx": subject_idx,
        "student_table": student_table,
        "subject_table": subject_table,
    }


def reference(student_idx, subject_idx, student_table, subject_table):
    # nn.Embedding lookup -> row gather
    student_embedded = jnp.take(student_table, student_idx, axis=0)
    subject_embedded = jnp.take(subject_table, subject_idx, axis=0)
    # elementwise product + sum over embedding dim (dot product per example)
    return (student_embedded * subject_embedded).sum(axis=1)

if __name__ == "__main__":
    import jax
    _d = setup_inputs()
    print(jax.jit(kernel)(*tuple(_d.values())))

</pallas_src>

<mosaic_0001>
#map = affine_map<(d0, d1) -> (0)>
#map1 = affine_map<(d0, d1) -> (0, 0)>
module attributes {stable_mosaic.version = 14 : i64} {
  func.func @_mf_kernel(%arg0: i32, %arg1: i32, %arg2: memref<16384xi32, #tpu.memory_space<hbm>>, %arg3: memref<16384xi32, #tpu.memory_space<hbm>>, %arg4: memref<1000000x16xf32, #tpu.memory_space<hbm>>, %arg5: memref<100000x16xf32, #tpu.memory_space<hbm>>, %arg6: memref<16384xf32, #tpu.memory_space<hbm>>, %arg7: memref<512xi32, #tpu.memory_space<vmem>>, %arg8: memref<512xi32, #tpu.memory_space<vmem>>, %arg9: memref<512x16xf32, #tpu.memory_space<vmem>>, %arg10: memref<512x16xf32, #tpu.memory_space<vmem>>, %arg11: memref<512xf32, #tpu.memory_space<vmem>>, %arg12: memref<!tpu.dma_semaphore, #tpu.memory_space<semaphore_mem>>) attributes {dimension_semantics = [#tpu.dimension_semantics<core_parallel>, #tpu.dimension_semantics<subcore_parallel>], iteration_bounds = array<i64: 2, 16>, scalar_prefetch = 0 : i64, scratch_operands = 6 : i64, tpu.core_type = #tpu.core_type<sc_vector_subcore>, window_params = [{transform_indices = #map}, {transform_indices = #map}, {transform_indices = #map1}, {transform_indices = #map1}, {transform_indices = #map}]} {
    %mul3A = arith.constant 2 : i32
    %mul3A_0 = arith.muli %arg1, %mul3A : i32
    %add3A = arith.addi %mul3A_0, %arg0 : i32
    %mul3A_1 = arith.constant 512 : i32
    %mul3A_2 = arith.muli %add3A, %mul3A_1 : i32
    "tpu.region"() ({
      %run_scoped3A = tpu.sem_alloc : memref<!tpu.dma_semaphore, #tpu.memory_space<semaphore_mem>>
      %dma_start3A_113 = tpu.memref_slice %arg2[%mul3A_2] : memref<16384xi32, #tpu.memory_space<hbm>> -> memref<512xi32, #tpu.memory_space<hbm>>
      %dma_start3A_114 = tpu.memref_slice %arg2[%mul3A_2] : memref<16384xi32, #tpu.memory_space<hbm>> -> memref<512xi32, #tpu.memory_space<hbm>>
      tpu.enqueue_dma source(%dma_start3A_114 : memref<512xi32, #tpu.memory_space<hbm>>) target(%arg7 : memref<512xi32, #tpu.memory_space<vmem>>) target_semaphore(%run_scoped3A : memref<!tpu.dma_semaphore, #tpu.memory_space<semaphore_mem>>)
      %dma_wait3A_115 = tpu.memref_slice %arg2[%mul3A_2] : memref<16384xi32, #tpu.memory_space<hbm>> -> memref<512xi32, #tpu.memory_space<hbm>>
      %dma_wait3A_116 = tpu.memref_slice %arg2[%mul3A_2] : memref<16384xi32, #tpu.memory_space<hbm>> -> memref<512xi32, #tpu.memory_space<hbm>>
      tpu.wait_dma2 semaphore(%run_scoped3A : memref<!tpu.dma_semaphore, #tpu.memory_space<semaphore_mem>>) src(%dma_wait3A_116 : memref<512xi32, #tpu.memory_space<hbm>>) dst(%arg7 : memref<512xi32, #tpu.memory_space<vmem>>)
      tpu.yield
    }) : () -> ()
    "tpu.region"() ({
      %run_scoped3A = tpu.sem_alloc : memref<!tpu.dma_semaphore, #tpu.memory_space<semaphore_mem>>
      %dma_start3A_113 = tpu.memref_slice %arg3[%mul3A_2] : memref<16384xi32, #tpu.memory_space<hbm>> -> memref<512xi32, #tpu.memory_space<hbm>>
      %dma_start3A_114 = tpu.memref_slice %arg3[%mul3A_2] : memref<16384xi32, #tpu.memory_space<hbm>> -> memref<512xi32, #tpu.memory_space<hbm>>
      tpu.enqueue_dma source(%dma_start3A_114 : memref<512xi32, #tpu.memory_space<hbm>>) target(%arg8 : memref<512xi32, #tpu.memory_space<vmem>>) target_semaphore(%run_scoped3A : memref<!tpu.dma_semaphore, #tpu.memory_space<semaphore_mem>>)
      %dma_wait3A_115 = tpu.memref_slice %arg3[%mul3A_2] : memref<16384xi32, #tpu.memory_space<hbm>> -> memref<512xi32, #tpu.memory_space<hbm>>
      %dma_wait3A_116 = tpu.memref_slice %arg3[%mul3A_2] : memref<16384xi32, #tpu.memory_space<hbm>> -> memref<512xi32, #tpu.memory_space<hbm>>
      tpu.wait_dma2 semaphore(%run_scoped3A : memref<!tpu.dma_semaphore, #tpu.memory_space<semaphore_mem>>) src(%dma_wait3A_116 : memref<512xi32, #tpu.memory_space<hbm>>) dst(%arg8 : memref<512xi32, #tpu.memory_space<vmem>>)
      tpu.yield
    }) : () -> ()
    %dma_start3A = arith.constant 0 : i32
    %dma_start3A_3 = arith.constant 0 : i32
    %dma_start3A_4 = tpu.memref_slice %arg4[%dma_start3A, %dma_start3A_3] : memref<1000000x16xf32, #tpu.memory_space<hbm>> -> memref<1000000x16xf32, #tpu.memory_space<hbm>>
    tpu.enqueue_indirect_dma source(%dma_start3A_4 : memref<1000000x16xf32, #tpu.memory_space<hbm>>) target(%arg9 : memref<512x16xf32, #tpu.memory_space<vmem>>) offsets(%arg7 : memref<512xi32, #tpu.memory_space<vmem>>) semaphore(%arg12 : memref<!tpu.dma_semaphore, #tpu.memory_space<semaphore_mem>>)
    %dma_start3A_5 = arith.constant 0 : i32
    %dma_start3A_6 = arith.constant 0 : i32
    %dma_start3A_7 = tpu.memref_slice %arg5[%dma_start3A_5, %dma_start3A_6] : memref<100000x16xf32, #tpu.memory_space<hbm>> -> memref<100000x16xf32, #tpu.memory_space<hbm>>
    tpu.enqueue_indirect_dma source(%dma_start3A_7 : memref<100000x16xf32, #tpu.memory_space<hbm>>) target(%arg10 : memref<512x16xf32, #tpu.memory_space<vmem>>) offsets(%arg8 : memref<512xi32, #tpu.memory_space<vmem>>) semaphore(%arg12 : memref<!tpu.dma_semaphore, #tpu.memory_space<semaphore_mem>>)
    %dma_wait3A = arith.constant 0 : i32
    %dma_wait3A_8 = arith.constant 0 : i32
    %dma_wait3A_9 = tpu.memref_slice %arg4[%dma_wait3A, %dma_wait3A_8] : memref<1000000x16xf32, #tpu.memory_space<hbm>> -> memref<1000000x16xf32, #tpu.memory_space<hbm>>
    tpu.wait_indirect_dma semaphore(%arg12 : memref<!tpu.dma_semaphore, #tpu.memory_space<semaphore_mem>>) src(%dma_wait3A_9 : memref<1000000x16xf32, #tpu.memory_space<hbm>>) dst(%arg9 : memref<512x16xf32, #tpu.memory_space<vmem>>)
    %dma_wait3A_10 = arith.constant 0 : i32
    %dma_wait3A_11 = arith.constant 0 : i32
    %dma_wait3A_12 = tpu.memref_slice %arg5[%dma_wait3A_10, %dma_wait3A_11] : memref<100000x16xf32, #tpu.memory_space<hbm>> -> memref<100000x16xf32, #tpu.memory_space<hbm>>
    tpu.wait_indirect_dma semaphore(%arg12 : memref<!tpu.dma_semaphore, #tpu.memory_space<semaphore_mem>>) src(%dma_wait3A_12 : memref<100000x16xf32, #tpu.memory_space<hbm>>) dst(%arg10 : memref<512x16xf32, #tpu.memory_space<vmem>>)
    %iota3A = tpu.iota {dimensions = array<i32: 0>} : vector<16xi32>
    %add3A_13 = arith.constant 0 : i32
    %add3A_14 = vector.broadcast %add3A_13 : i32 to vector<16xi32>
    %add3A_15 = arith.addi %iota3A, %add3A_14 : vector<16xi32>
    %and3A = arith.constant 15 : i32
    %and3A_16 = vector.broadcast %and3A : i32 to vector<16xi32>
    %and3A_17 = arith.andi %add3A_15, %and3A_16 : vector<16xi32>
    %add3A_18 = arith.constant 1 : i32
    %add3A_19 = vector.broadcast %add3A_18 : i32 to vector<16xi32>
    %add3A_20 = arith.addi %iota3A, %add3A_19 : vector<16xi32>
    %and3A_21 = arith.constant 15 : i32
    %and3A_22 = vector.broadcast %and3A_21 : i32 to vector<16xi32>
    %and3A_23 = arith.andi %add3A_20, %and3A_22 : vector<16xi32>
    %add3A_24 = arith.constant 2 : i32
    %add3A_25 = vector.broadcast %add3A_24 : i32 to vector<16xi32>
    %add3A_26 = arith.addi %iota3A, %add3A_25 : vector<16xi32>
    %and3A_27 = arith.constant 15 : i32
    %and3A_28 = vector.broadcast %and3A_27 : i32 to vector<16xi32>
    %and3A_29 = arith.andi %add3A_26, %and3A_28 : vector<16xi32>
    %add3A_30 = arith.constant 3 : i32
    %add3A_31 = vector.broadcast %add3A_30 : i32 to vector<16xi32>
    %add3A_32 = arith.addi %iota3A, %add3A_31 : vector<16xi32>
    %and3A_33 = arith.constant 15 : i32
    %and3A_34 = vector.broadcast %and3A_33 : i32 to vector<16xi32>
    %and3A_35 = arith.andi %add3A_32, %and3A_34 : vector<16xi32>
    %add3A_36 = arith.constant 4 : i32
    %add3A_37 = vector.broadcast %add3A_36 : i32 to vector<16xi32>
    %add3A_38 = arith.addi %iota3A, %add3A_37 : vector<16xi32>
    %and3A_39 = arith.constant 15 : i32
    %and3A_40 = vector.broadcast %and3A_39 : i32 to vector<16xi32>
    %and3A_41 = arith.andi %add3A_38, %and3A_40 : vector<16xi32>
    %add3A_42 = arith.constant 5 : i32
    %add3A_43 = vector.broadcast %add3A_42 : i32 to vector<16xi32>
    %add3A_44 = arith.addi %iota3A, %add3A_43 : vector<16xi32>
    %and3A_45 = arith.constant 15 : i32
    %and3A_46 = vector.broadcast %and3A_45 : i32 to vector<16xi32>
    %and3A_47 = arith.andi %add3A_44, %and3A_46 : vector<16xi32>
    %add3A_48 = arith.constant 6 : i32
    %add3A_49 = vector.broadcast %add3A_48 : i32 to vector<16xi32>
    %add3A_50 = arith.addi %iota3A, %add3A_49 : vector<16xi32>
    %and3A_51 = arith.constant 15 : i32
    %and3A_52 = vector.broadcast %and3A_51 : i32 to vector<16xi32>
    %and3A_53 = arith.andi %add3A_50, %and3A_52 : vector<16xi32>
    %add3A_54 = arith.constant 7 : i32
    %add3A_55 = vector.broadcast %add3A_54 : i32 to vector<16xi32>
    %add3A_56 = arith.addi %iota3A, %add3A_55 : vector<16xi32>
    %and3A_57 = arith.constant 15 : i32
    %and3A_58 = vector.broadcast %and3A_57 : i32 to vector<16xi32>
    %and3A_59 = arith.andi %add3A_56, %and3A_58 : vector<16xi32>
    %add3A_60 = arith.constant 8 : i32
    %add3A_61 = vector.broadcast %add3A_60 : i32 to vector<16xi32>
    %add3A_62 = arith.addi %iota3A, %add3A_61 : vector<16xi32>
    %and3A_63 = arith.constant 15 : i32
    %and3A_64 = vector.broadcast %and3A_63 : i32 to vector<16xi32>
    %and3A_65 = arith.andi %add3A_62, %and3A_64 : vector<16xi32>
    %add3A_66 = arith.constant 9 : i32
    %add3A_67 = vector.broadcast %add3A_66 : i32 to vector<16xi32>
    %add3A_68 = arith.addi %iota3A, %add3A_67 : vector<16xi32>
    %and3A_69 = arith.constant 15 : i32
    %and3A_70 = vector.broadcast %and3A_69 : i32 to vector<16xi32>
    %and3A_71 = arith.andi %add3A_68, %and3A_70 : vector<16xi32>
    %add3A_72 = arith.constant 10 : i32
    %add3A_73 = vector.broadcast %add3A_72 : i32 to vector<16xi32>
    %add3A_74 = arith.addi %iota3A, %add3A_73 : vector<16xi32>
    %and3A_75 = arith.constant 15 : i32
    %and3A_76 = vector.broadcast %and3A_75 : i32 to vector<16xi32>
    %and3A_77 = arith.andi %add3A_74, %and3A_76 : vector<16xi32>
    %add3A_78 = arith.constant 11 : i32
    %add3A_79 = vector.broadcast %add3A_78 : i32 to vector<16xi32>
    %add3A_80 = arith.addi %iota3A, %add3A_79 : vector<16xi32>
    %and3A_81 = arith.constant 15 : i32
    %and3A_82 = vector.broadcast %and3A_81 : i32 to vector<16xi32>
    %and3A_83 = arith.andi %add3A_80, %and3A_82 : vector<16xi32>
    %add3A_84 = arith.constant 12 : i32
    %add3A_85 = vector.broadcast %add3A_84 : i32 to vector<16xi32>
    %add3A_86 = arith.addi %iota3A, %add3A_85 : vector<16xi32>
    %and3A_87 = arith.constant 15 : i32
    %and3A_88 = vector.broadcast %and3A_87 : i32 to vector<16xi32>
    %and3A_89 = arith.andi %add3A_86, %and3A_88 : vector<16xi32>
    %add3A_90 = arith.constant 13 : i32
    %add3A_91 = vector.broadcast %add3A_90 : i32 to vector<16xi32>
    %add3A_92 = arith.addi %iota3A, %add3A_91 : vector<16xi32>
    %and3A_93 = arith.constant 15 : i32
    %and3A_94 = vector.broadcast %and3A_93 : i32 to vector<16xi32>
    %and3A_95 = arith.andi %add3A_92, %and3A_94 : vector<16xi32>
    %add3A_96 = arith.constant 14 : i32
    %add3A_97 = vector.broadcast %add3A_96 : i32 to vector<16xi32>
    %add3A_98 = arith.addi %iota3A, %add3A_97 : vector<16xi32>
    %and3A_99 = arith.constant 15 : i32
    %and3A_100 = vector.broadcast %and3A_99 : i32 to vector<16xi32>
    %and3A_101 = arith.andi %add3A_98, %and3A_100 : vector<16xi32>
    %add3A_102 = arith.constant 15 : i32
    %add3A_103 = vector.broadcast %add3A_102 : i32 to vector<16xi32>
    %add3A_104 = arith.addi %iota3A, %add3A_103 : vector<16xi32>
    %and3A_105 = arith.constant 15 : i32
    %and3A_106 = vector.broadcast %and3A_105 : i32 to vector<16xi32>
    %and3A_107 = arith.andi %add3A_104, %and3A_106 : vector<16xi32>
    %scan3A = arith.constant 0 : i32
    %scan3A_108 = arith.constant 0 : i32
    %scan3A_109 = arith.constant 32 : i32
    %scan3A_110 = arith.addi %scan3A_108, %scan3A_109 : i32
    %scan3A_111 = arith.constant 1 : i32
    scf.for %scan3A_113 = %scan3A_108 to %scan3A_110 step %scan3A_111  : i32 {
      %mul3A_114 = arith.constant 16 : i32
      %mul3A_115 = arith.muli %scan3A_113, %mul3A_114 : i32
      %add3A_116 = vector.broadcast %mul3A_115 : i32 to vector<16xi32>
      %add3A_117 = arith.addi %add3A_116, %iota3A : vector<16xi32>
      %broadcast_in_dim3A = arith.constant 0.000000e+00 : f32
      %broadcast_in_dim3A_118 = vector.broadcast %broadcast_in_dim3A : f32 to vector<16xf32>
      %gather3A = tpu.vector_load_idx %arg9[%add3A_117, %and3A_17] : memref<512x16xf32, #tpu.memory_space<vmem>>[vector<16xi32>, vector<16xi32>], vector<16xf32>,
      %gather3A_119 = tpu.vector_load_idx %arg10[%add3A_117, %and3A_17] : memref<512x16xf32, #tpu.memory_space<vmem>>[vector<16xi32>, vector<16xi32>], vector<16xf32>,
      %mul3A_120 = arith.mulf %gather3A, %gather3A_119 : vector<16xf32>
      %add3A_121 = arith.addf %broadcast_in_dim3A_118, %mul3A_120 : vector<16xf32>
      %gather3A_122 = tpu.vector_load_idx %arg9[%add3A_117, %and3A_23] : memref<512x16xf32, #tpu.memory_space<vmem>>[vector<16xi32>, vector<16xi32>], vector<16xf32>,
      %gather3A_123 = tpu.vector_load_idx %arg10[%add3A_117, %and3A_23] : memref<512x16xf32, #tpu.memory_space<vmem>>[vector<16xi32>, vector<16xi32>], vector<16xf32>,
      %mul3A_124 = arith.mulf %gather3A_122, %gather3A_123 : vector<16xf32>
      %add3A_125 = arith.addf %add3A_121, %mul3A_124 : vector<16xf32>
      %gather3A_126 = tpu.vector_load_idx %arg9[%add3A_117, %and3A_29] : memref<512x16xf32, #tpu.memory_space<vmem>>[vector<16xi32>, vector<16xi32>], vector<16xf32>,
      %gather3A_127 = tpu.vector_load_idx %arg10[%add3A_117, %and3A_29] : memref<512x16xf32, #tpu.memory_space<vmem>>[vector<16xi32>, vector<16xi32>], vector<16xf32>,
      %mul3A_128 = arith.mulf %gather3A_126, %gather3A_127 : vector<16xf32>
      %add3A_129 = arith.addf %add3A_125, %mul3A_128 : vector<16xf32>
      %gather3A_130 = tpu.vector_load_idx %arg9[%add3A_117, %and3A_35] : memref<512x16xf32, #tpu.memory_space<vmem>>[vector<16xi32>, vector<16xi32>], vector<16xf32>,
      %gather3A_131 = tpu.vector_load_idx %arg10[%add3A_117, %and3A_35] : memref<512x16xf32, #tpu.memory_space<vmem>>[vector<16xi32>, vector<16xi32>], vector<16xf32>,
      %mul3A_132 = arith.mulf %gather3A_130, %gather3A_131 : vector<16xf32>
      %add3A_133 = arith.addf %add3A_129, %mul3A_132 : vector<16xf32>
      %gather3A_134 = tpu.vector_load_idx %arg9[%add3A_117, %and3A_41] : memref<512x16xf32, #tpu.memory_space<vmem>>[vector<16xi32>, vector<16xi32>], vector<16xf32>,
      %gather3A_135 = tpu.vector_load_idx %arg10[%add3A_117, %and3A_41] : memref<512x16xf32, #tpu.memory_space<vmem>>[vector<16xi32>, vector<16xi32>], vector<16xf32>,
      %mul3A_136 = arith.mulf %gather3A_134, %gather3A_135 : vector<16xf32>
      %add3A_137 = arith.addf %add3A_133, %mul3A_136 : vector<16xf32>
      %gather3A_138 = tpu.vector_load_idx %arg9[%add3A_117, %and3A_47] : memref<512x16xf32, #tpu.memory_space<vmem>>[vector<16xi32>, vector<16xi32>], vector<16xf32>,
      %gather3A_139 = tpu.vector_load_idx %arg10[%add3A_117, %and3A_47] : memref<512x16xf32, #tpu.memory_space<vmem>>[vector<16xi32>, vector<16xi32>], vector<16xf32>,
      %mul3A_140 = arith.mulf %gather3A_138, %gather3A_139 : vector<16xf32>
      %add3A_141 = arith.addf %add3A_137, %mul3A_140 : vector<16xf32>
      %gather3A_142 = tpu.vector_load_idx %arg9[%add3A_117, %and3A_53] : memref<512x16xf32, #tpu.memory_space<vmem>>[vector<16xi32>, vector<16xi32>], vector<16xf32>,
      %gather3A_143 = tpu.vector_load_idx %arg10[%add3A_117, %and3A_53] : memref<512x16xf32, #tpu.memory_space<vmem>>[vector<16xi32>, vector<16xi32>], vector<16xf32>,
      %mul3A_144 = arith.mulf %gather3A_142, %gather3A_143 : vector<16xf32>
      %add3A_145 = arith.addf %add3A_141, %mul3A_144 : vector<16xf32>
      %gather3A_146 = tpu.vector_load_idx %arg9[%add3A_117, %and3A_59] : memref<512x16xf32, #tpu.memory_space<vmem>>[vector<16xi32>, vector<16xi32>], vector<16xf32>,
      %gather3A_147 = tpu.vector_load_idx %arg10[%add3A_117, %and3A_59] : memref<512x16xf32, #tpu.memory_space<vmem>>[vector<16xi32>, vector<16xi32>], vector<16xf32>,
      %mul3A_148 = arith.mulf %gather3A_146, %gather3A_147 : vector<16xf32>
      %add3A_149 = arith.addf %add3A_145, %mul3A_148 : vector<16xf32>
      %gather3A_150 = tpu.vector_load_idx %arg9[%add3A_117, %and3A_65] : memref<512x16xf32, #tpu.memory_space<vmem>>[vector<16xi32>, vector<16xi32>], vector<16xf32>,
      %gather3A_151 = tpu.vector_load_idx %arg10[%add3A_117, %and3A_65] : memref<512x16xf32, #tpu.memory_space<vmem>>[vector<16xi32>, vector<16xi32>], vector<16xf32>,
      %mul3A_152 = arith.mulf %gather3A_150, %gather3A_151 : vector<16xf32>
      %add3A_153 = arith.addf %add3A_149, %mul3A_152 : vector<16xf32>
      %gather3A_154 = tpu.vector_load_idx %arg9[%add3A_117, %and3A_71] : memref<512x16xf32, #tpu.memory_space<vmem>>[vector<16xi32>, vector<16xi32>], vector<16xf32>,
      %gather3A_155 = tpu.vector_load_idx %arg10[%add3A_117, %and3A_71] : memref<512x16xf32, #tpu.memory_space<vmem>>[vector<16xi32>, vector<16xi32>], vector<16xf32>,
      %mul3A_156 = arith.mulf %gather3A_154, %gather3A_155 : vector<16xf32>
      %add3A_157 = arith.addf %add3A_153, %mul3A_156 : vector<16xf32>
      %gather3A_158 = tpu.vector_load_idx %arg9[%add3A_117, %and3A_77] : memref<512x16xf32, #tpu.memory_space<vmem>>[vector<16xi32>, vector<16xi32>], vector<16xf32>,
      %gather3A_159 = tpu.vector_load_idx %arg10[%add3A_117, %and3A_77] : memref<512x16xf32, #tpu.memory_space<vmem>>[vector<16xi32>, vector<16xi32>], vector<16xf32>,
      %mul3A_160 = arith.mulf %gather3A_158, %gather3A_159 : vector<16xf32>
      %add3A_161 = arith.addf %add3A_157, %mul3A_160 : vector<16xf32>
      %gather3A_162 = tpu.vector_load_idx %arg9[%add3A_117, %and3A_83] : memref<512x16xf32, #tpu.memory_space<vmem>>[vector<16xi32>, vector<16xi32>], vector<16xf32>,
      %gather3A_163 = tpu.vector_load_idx %arg10[%add3A_117, %and3A_83] : memref<512x16xf32, #tpu.memory_space<vmem>>[vector<16xi32>, vector<16xi32>], vector<16xf32>,
      %mul3A_164 = arith.mulf %gather3A_162, %gather3A_163 : vector<16xf32>
      %add3A_165 = arith.addf %add3A_161, %mul3A_164 : vector<16xf32>
      %gather3A_166 = tpu.vector_load_idx %arg9[%add3A_117, %and3A_89] : memref<512x16xf32, #tpu.memory_space<vmem>>[vector<16xi32>, vector<16xi32>], vector<16xf32>,
      %gather3A_167 = tpu.vector_load_idx %arg10[%add3A_117, %and3A_89] : memref<512x16xf32, #tpu.memory_space<vmem>>[vector<16xi32>, vector<16xi32>], vector<16xf32>,
      %mul3A_168 = arith.mulf %gather3A_166, %gather3A_167 : vector<16xf32>
      %add3A_169 = arith.addf %add3A_165, %mul3A_168 : vector<16xf32>
      %gather3A_170 = tpu.vector_load_idx %arg9[%add3A_117, %and3A_95] : memref<512x16xf32, #tpu.memory_space<vmem>>[vector<16xi32>, vector<16xi32>], vector<16xf32>,
      %gather3A_171 = tpu.vector_load_idx %arg10[%add3A_117, %and3A_95] : memref<512x16xf32, #tpu.memory_space<vmem>>[vector<16xi32>, vector<16xi32>], vector<16xf32>,
      %mul3A_172 = arith.mulf %gather3A_170, %gather3A_171 : vector<16xf32>
      %add3A_173 = arith.addf %add3A_169, %mul3A_172 : vector<16xf32>
      %gather3A_174 = tpu.vector_load_idx %arg9[%add3A_117, %and3A_101] : memref<512x16xf32, #tpu.memory_space<vmem>>[vector<16xi32>, vector<16xi32>], vector<16xf32>,
      %gather3A_175 = tpu.vector_load_idx %arg10[%add3A_117, %and3A_101] : memref<512x16xf32, #tpu.memory_space<vmem>>[vector<16xi32>, vector<16xi32>], vector<16xf32>,
      %mul3A_176 = arith.mulf %gather3A_174, %gather3A_175 : vector<16xf32>
      %add3A_177 = arith.addf %add3A_173, %mul3A_176 : vector<16xf32>
      %gather3A_178 = tpu.vector_load_idx %arg9[%add3A_117, %and3A_107] : memref<512x16xf32, #tpu.memory_space<vmem>>[vector<16xi32>, vector<16xi32>], vector<16xf32>,
      %gather3A_179 = tpu.vector_load_idx %arg10[%add3A_117, %and3A_107] : memref<512x16xf32, #tpu.memory_space<vmem>>[vector<16xi32>, vector<16xi32>], vector<16xf32>,
      %mul3A_180 = arith.mulf %gather3A_178, %gather3A_179 : vector<16xf32>
      %add3A_181 = arith.addf %add3A_177, %mul3A_180 : vector<16xf32>
      %swap3A = arith.index_cast %mul3A_115 : i32 to index
      %swap3A_182 = tpu.vector_load %arg11[%swap3A] {strides = array<i32>} : memref<512xf32, #tpu.memory_space<vmem>>, vector<16xf32>,
      tpu.vector_store %arg11[%swap3A], %add3A_181 {strides = array<i32>} : memref<512xf32, #tpu.memory_space<vmem>>, vector<16xf32>,
    }
    %scan3A_112 = arith.constant 32 : i32
    "tpu.region"() ({
      %run_scoped3A = tpu.sem_alloc : memref<!tpu.dma_semaphore, #tpu.memory_space<semaphore_mem>>
      %dma_start3A_113 = tpu.memref_slice %arg6[%mul3A_2] : memref<16384xf32, #tpu.memory_space<hbm>> -> memref<512xf32, #tpu.memory_space<hbm>>
      %dma_start3A_114 = tpu.memref_slice %arg6[%mul3A_2] : memref<16384xf32, #tpu.memory_space<hbm>> -> memref<512xf32, #tpu.memory_space<hbm>>
      tpu.enqueue_dma source(%arg11 : memref<512xf32, #tpu.memory_space<vmem>>) target(%dma_start3A_114 : memref<512xf32, #tpu.memory_space<hbm>>) target_semaphore(%run_scoped3A : memref<!tpu.dma_semaphore, #tpu.memory_space<semaphore_mem>>)
      %dma_wait3A_115 = tpu.memref_slice %arg6[%mul3A_2] : memref<16384xf32, #tpu.memory_space<hbm>> -> memref<512xf32, #tpu.memory_space<hbm>>
      %dma_wait3A_116 = tpu.memref_slice %arg6[%mul3A_2] : memref<16384xf32, #tpu.memory_space<hbm>> -> memref<512xf32, #tpu.memory_space<hbm>>
      tpu.wait_dma2 semaphore(%run_scoped3A : memref<!tpu.dma_semaphore, #tpu.memory_space<semaphore_mem>>) src(%arg11 : memref<512xf32, #tpu.memory_space<vmem>>) dst(%dma_wait3A_116 : memref<512xf32, #tpu.memory_space<hbm>>)
      tpu.yield
    }) : () -> ()
    return
  }
}

</mosaic_0001>

<sc_bundles>
// kernel: kernel.3.cloned.1.call-start
scs
__scs_entry_jumppad:
0x0: {  	(pc) =	sbr.rel $0x88, $3  }
0x1: {  	(tag) =	ssettag $0x0;
	lr =	simm.s32 $0x1  }
0x2: {  	[smem:$0x3F9D] =	sst lr;
	_ =	strace $0xD0000000  }
0x3: {  	_ = 	snop  }
0x4: {  	_ = 	snop  }
0x5: {  	_ = 	snop  }
0x6: {  	_ = 	snop  }
0x7: {  	_ = 	snop  }
__scs_overlays_trampoline_lowered:
0x8: {  	[smem:$0x3FAC] =	sst s0  }
0x9: {  	[smem:$0x3FAD] =	sst s1  }
0xa: {  	[smem:$0x3FAE] =	sst s2  }
0xb: {  	[smem:$0x3FAF] =	sst s3  }
0xc: {  	[smem:$0x3FB0] =	sst s4  }
0xd: {  	[smem:$0x3FB1] =	sst s5  }
0xe: {  	[smem:$0x3FB2] =	sst s6  }
0xf: {  	[smem:$0x3FB3] =	sst s7  }
0x10: {  	[smem:$0x3FB4] =	sst s8  }
0x11: {  	[smem:$0x3FB5] =	sst s9;
	s0 =	simm.s32 @!p0 $0x0  }
0x12: {  	s1 =	sld [smem:$0x3F9B];
	s0 =	simm.s32 @p0 $0x1  }
0x13: {  	[smem:$0x3FB6] =	sst s0;
	s0 =	simm.s32 @!p1 $0x0  }
0x14: {  	s2 =	sld [smem:$0x3F9A];
	s0 =	simm.s32 @p1 $0x1  }
0x15: {  	[smem:$0x3FB7] =	sst s0;
	s0 =	simm.s32 @!p2 $0x0  }
0x16: {  	s3 =	sld [smem:$0x3FDB];
	s0 =	simm.s32 @p2 $0x1  }
0x17: {  	s4 =	simm.s32 $0x1BF5;
	[smem:$0x3FB9] =	sst s0  }
0x18: {  	s0 =	sld [smem:$0x3F9C];
	_ =	swait.ge [sflag:s4], $0x0  }
0x19: {  	s7 =	sld [smem:$0x3F9D]  }
0x1a: {  	s8 =	sadd.s32 $0xFFFFE003, lr  }
0x1b: {  	s9 =	sadd.s32 $0xFFFFFEF7, lr;
	s5 =	simm.s32 $0xFFFFFFFF;
	p2 =	slt.u32 s8, $0xFFFFF086  }
0x1c: {  	p1 =	slt.u32 s9, $0xF7A;
	s5 =	simm.s32 @!p2 $0x0  }
0x1d: {  	s5 =	simm.s32 @p1 $0x1;
	p0 =	seq.s32 s7, s2  }
0x1e: {  	s7 =	smul.u32 @!p0 $0xF7A, s2;
	p2 =	seq.s32 @!p0 s5, $0x0  }
0x1f: {  	s9 =	smul.u32 $0xF7A, s1;
	s8 =	simm.s32 @!p0 $0x1BF5;
	p2 =	por !p2, p0  }
0x20: {  	[sflag:s8] =	ssyncset.s32 @!p0 $0xFFFFF086;
	s6 =	sadd.s32 @!p0 s3, s7;
	s7 =	simm.s32 @!p0 $0x108  }
0x21: {  	s3 =	sadd.s32 s3, s9;
	s6 =	sadd.s32 @!p0 $0x88, s6;
	s7 =	simm.s32 @p2 $0x1082  }
0x22: {  	[simem:s7], [sflag:s8] =	dma.local @!p0 [hbm:s6], $0xF7A  }
0x23: {  	s9 =	sor.u32 $0xD0000000, s2;
	s6 =	simm.s32 $0x108;
	_ =	swait.ge @!p0 [sflag:s8], $0x0  }
0x24: {  	s3 =	sadd.s32 $0x88, s3;
	s6 =	simm.s32 @!p1 $0x1082;
	[sflag:s4] =	ssyncset.s32 $0xFFFFF086  }
0x25: {  	[simem:s6], [sflag:s4] =	dma.local [hbm:s3], $0xF7A  }
0x26: {  	[smem:$0x3F9D] =	sst s1;
	(tag) =	ssettag s2;
	_ =	strace s9  }
0x27: {  	s1 =	sld [smem:$0x3FAD]  }
0x28: {  	s2 =	sld [smem:$0x3FAE]  }
0x29: {  	s4 =	sld [smem:$0x3FB0]  }
0x2a: {  	p0 =	seq.s32 s5, $0x0;
	s5 =	sld [smem:$0x3FB1]  }
0x2b: {  	s6 =	sld [smem:$0x3FB2]  }
0x2c: {  	s7 =	sld [smem:$0x3FB3]  }
0x2d: {  	s3 =	simm.s32 $0x108;
	s8 =	sld [smem:$0x3FB4]  }
0x2e: {  	s3 =	simm.s32 @!p0 $0x1082;
	s9 =	sld [smem:$0x3FB5]  }
0x2f: {  	lr =	sadd.s32 s0, s3;
	s0 =	sld [smem:$0x3FAC]  }
0x30: {  	s3 =	sld [smem:$0x3FAF]  }
0x31: {  	[smem:$0x3FB8] =	sst s10  }
0x32: {  	s10 =	sld [smem:$0x3FB6];
	_ =	sdelay $0x3  }
0x33: {  	p0 =	seq.s32 s10, $0x1;
	s10 =	sld [smem:$0x3FB8];
	_ =	sdelay $0x3  }
0x34: {  	[smem:$0x3FB8] =	sst s10  }
0x35: {  	s10 =	sld [smem:$0x3FB7];
	_ =	sdelay $0x3  }
0x36: {  	p1 =	seq.s32 s10, $0x1;
	s10 =	sld [smem:$0x3FB8];
	_ =	sdelay $0x3  }
0x37: {  	[smem:$0x3FB8] =	sst s10  }
0x38: {  	s10 =	sld [smem:$0x3FB9]  }
0x39: {  	_ = 	snop;
	(pc) =	sbr.ind lr, $3  }
0x3a: {  	_ = 	snop  }
0x3b: {  	_ = 	snop  }
0x3c: {  	p2 =	seq.s32 s10, $0x1;
	s10 =	sld [smem:$0x3FB8]  }
0x3d: {  	_ =	shalt  }
0x3e: {  	_ =	shalt  }
0x3f: {  	_ =	shalt  }
0x40: {  	_ =	shalt  }
0x41: {  	_ =	shalt  }
0x42: {  	_ =	shalt  }
0x43: {  	_ =	shalt  }
0x44: {  	_ =	shalt  }
0x45: {  	_ =	shalt  }
0x46: {  	_ =	shalt  }
0x47: {  	_ =	shalt  }
0x48: {  	_ =	shalt  }
0x49: {  	_ =	shalt  }
0x4a: {  	_ =	shalt  }
0x4b: {  	_ =	shalt  }
0x4c: {  	_ =	shalt  }
0x4d: {  	_ =	shalt  }
0x4e: {  	_ =	shalt  }
0x4f: {  	_ =	shalt  }
0x50: {  	_ =	shalt  }
0x51: {  	_ =	shalt  }
0x52: {  	_ =	shalt  }
0x53: {  	_ =	shalt  }
0x54: {  	_ =	shalt  }
0x55: {  	_ =	shalt  }
0x56: {  	_ =	shalt  }
0x57: {  	_ =	shalt  }
0x58: {  	_ =	shalt  }
0x59: {  	_ =	shalt  }
0x5a: {  	_ =	shalt  }
0x5b: {  	_ =	shalt  }
0x5c: {  	_ =	shalt  }
0x5d: {  	_ =	shalt  }
0x5e: {  	_ =	shalt  }
0x5f: {  	_ =	shalt  }
0x60: {  	_ =	shalt  }
0x61: {  	_ =	shalt  }
0x62: {  	_ =	shalt  }
0x63: {  	_ =	shalt  }
0x64: {  	_ =	shalt  }
0x65: {  	_ =	shalt  }
0x66: {  	_ =	shalt  }
0x67: {  	_ =	shalt  }
0x68: {  	_ =	shalt  }
0x69: {  	_ =	shalt  }
0x6a: {  	_ =	shalt  }
0x6b: {  	_ =	shalt  }
0x6c: {  	_ =	shalt  }
0x6d: {  	_ =	shalt  }
0x6e: {  	_ =	shalt  }
0x6f: {  	_ =	shalt  }
0x70: {  	_ =	shalt  }
0x71: {  	_ =	shalt  }
0x72: {  	_ =	shalt  }
0x73: {  	_ =	shalt  }
0x74: {  	_ =	shalt  }
0x75: {  	_ =	shalt  }
0x76: {  	_ =	shalt  }
0x77: {  	_ =	shalt  }
0x78: {  	_ =	shalt  }
0x79: {  	_ =	shalt  }
0x7a: {  	_ =	shalt  }
0x7b: {  	_ =	shalt  }
0x7c: {  	_ =	shalt  }
0x7d: {  	_ =	shalt  }
0x7e: {  	_ =	shalt  }
0x7f: {  	_ =	shalt  }
0x80: {  	_ =	shalt  }
0x81: {  	_ =	shalt  }
0x82: {  	_ =	shalt  }
0x83: {  	_ =	shalt  }
0x84: {  	_ =	shalt  }
0x85: {  	_ =	shalt  }
0x86: {  	_ =	shalt  }
0x87: {  	_ =	shalt  }
.Lfunc_end0:
.L_simem_size_0:
called_computation_lowered:
.L_overlay_start_0:
0x88: {  	s2 =	sld [smem:$0x3FD9]  }
0x89: {  	s3 =	sld [smem:$0x3FFE];
	_ =	sdelay $0x1  }
0x8a: {  	s1 =	srdreg.scid  }
0x8b: {  	s0 =	sand.u32 $0x1, s1  }
0x8c: {  	s17 =	sshll.u32 s0, $0xA;
	s2 =	sadd.s32 s3, s2  }
0x8d: {  	s2 =	sadd.s32 s2, s17  }
0x8e: {  	[smem:$0x3FC4] =	sst s2  }
0x8f: {  	_ = 	snop  }
0x90: {  	s2 =	sld [smem:$0x3FC9]  }
0x91: {  	s18 =	sld [smem:$0x3FC8]  }
0x92: {  	s4 =	sld [smem:$0x3FD0];
	(tm) =	ssettm $0x1  }
0x93: {  	s5 =	sld [smem:$0x3FFB];
	_ =	sdelay $0x3  }
0x94: {  	_ =	strace s5  }
0x95: {  	s5 =	sld [smem:$0x3FFC];
	_ =	sdelay $0x3  }
0x96: {  	_ =	strace s5  }
0x97: {  	s5 =	sld [smem:$0x3FFD];
	_ =	sdelay $0x3  }
0x98: {  	_ =	strace s5  }
0x99: {  	_ =	strace $0x8FFFFFFF  }
0x9a: {  	s19 =	sld [smem:$0x3FDB];
	_ =	sdelay $0x1  }
0x9b: {  	s6 =	simm.s32 $_scs_section_size  }
0x9c: {  	s7 =	simm.s32 $_size__tile_overlayer_lowered;
	s8 =	simm.s32 $_tile_overlayer_lowered  }
0x9d: {  	s22 =	simm.s32 $0x1BFF;
	s21 =	sshll.u32 s8, $0x1;
	s5 =	sadd.s32 s6, s19  }
0x9e: {  	s9 =	simm.s32 $0x0;
	s20 =	sshll.u32 s7, $0x1;
	s7 =	sadd.s32 s21, s5  }
0x9f: {  	[timem:s9], [sflag:s22] =	dma.local [hbm:s7], s20  }
0xa0: {  	_ =	swait.ge [sflag:s22], s20  }
0xa1: {  	s6 =	ssub.s32 $0x0, s20;
	[sflag:s22] =	ssyncset.done $0x0  }
0xa2: {  	[sflag:s22] =	ssyncadd.s32 s6;
	_ =	sdelay $0x1  }
0xa3: {  	s23 =	simm.s32 $0x1B8B  }
0xa4: {  	_ =	swait.ge [sflag:s23], $0x1  }
0xa5: {  	[sflag:s23] =	ssyncset.done $0x0  }
0xa6: {  	s25 =	simm.s32 $0x1B8E;
	s24 =	sld [smem:$0x3FFE];
	[sflag:s23] =	ssyncadd.s32 $0xFFFFFFFF  }
0xa7: {  	s26 =	simm.s32 $execute0_lowered;
	[smem:$0x3FD2] =	sst s25  }
0xa8: {  	s7 =	sshll.u32 s26, $0x1;
	_ =	strace $0x80000046;
	[dreg:$0x1] =	wrdreg $0xFFFFFFFF  }
0xa9: {  	s28 =	simm.s32 $_size_execute0_lowered;
	s5 =	sadd.s32 s5, s7;
	[dreg:$0x0] =	wrdreg $0x0  }
0xaa: {  	s7 =	sshll.u32 s28, $0x1;
	[dreg:$0x2] =	wrdreg s5  }
0xab: {  	[dreg:$0x3] =	wrdreg s7  }
0xac: {  	[dreg:$0x4] =	wrdreg $0xC0  }
0xad: {  	_ =	task [dreg:s9], $0x5FFFF  }
0xae: {  	[dreg:$0x1] =	wrdreg $0xFFFFFFFF  }
0xaf: {  	[dreg:$0x0] =	wrdreg $0x60  }
0xb0: {  	[dreg:$0x2] =	wrdreg s2  }
0xb1: {  	[dreg:$0x3] =	wrdreg s18  }
0xb2: {  	[dreg:$0x4] =	wrdreg s24  }
0xb3: {  	[dreg:$0x5] =	wrdreg s4  }
0xb4: {  	[dreg:$0x6] =	wrdreg $0x9  }
0xb5: {  	_ =	task.clear_ibuf [dreg:s9], $0x7FFFF;
	_ =	strace $0x90000046  }
0xb6: {  	s29 =	simm.s32 $0x9;
	_ =	strace $0x80000048  }
0xb7: {  	_ =	swait.ge [sflag:s29], $0x1  }
0xb8: {  	[sflag:s29] =	ssyncadd.s32 $0xFFFFFFFF  }
0xb9: {  	_ =	strace $0x90000048  }
0xba: {  	_ =	sfence  }
0xbb: {  	s30 =	sld [smem:$0x0];
	_ =	sdelay $0x2  }
0xbc: {  	s31 =	sshll.u32 s1, $0xD;
	s1 =	sshrl.u32 s1, $0x2  }
0xbd: {  	s3 =	sand.u32 $0x4000, s31;
	s1 =	sadd.s32 s1, s30  }
0xbe: {  	s0 =	sor.u32 s3, s0;
	s1 =	sshll.u32 s1, $0x11  }
0xbf: {  	s0 =	sor.u32 s1, s0  }
0xc0: {  	s0 =	sadd.s32 $0x8F2B, s0  }
0xc1: {  	[sflag:s0] =	ssyncadd.remote.s32 $0x1  }
0xc2: {  	_ =	sfence.sel $0xFFFF  }
0xc3: {  	[dreg:$0x0] =	wrdreg $0xFFFFFFFF;
	(pc) =	sbr.abs _section_cstart, $3  }
0xc4: {  	[dreg:$0x1] =	wrdreg $0xFFFFFFFF  }
0xc5: {  	_ =	task.clear_ibuf [dreg:s9], $0x2FFFF;
	_ =	strace $0x9FFFFFFF  }
0xc6: {  	(tm) =	ssettm $0x7FFFFFFF  }
0xc7: {  	_ =	shalt  }
tec
execute0_lowered:
.L_overlay_start_1:
0x0: {  	(tag) =	ssettag $0x1  }
0x1: {  	v1 =	vimm.s32 $0xFEDCBA9;
	v0 =	vlaneseq.u32  }
0x2: {  	v3 =	vimm.s32 $0x87654321;
	v4 =	vimm.s32 $0x98765432;
	v5 =	vimm.s32 $0x210FEDCB  }
0x3: {  	v6 =	vimm.s32 $0xA9876543;
	v16 =	vimm.s32 $0xCBA98765;
	v18 =	vimm.s32 $0x6543210F  }
0x4: {  	v19 =	vimm.s32 $0xEDCBA987;
	v20 =	vimm.s32 $0xFEDCBA98;
	v21 =	vimm.s32 $0x76543210  }
0x5: {  	v2 =	vunpack.c.l.s4.s8 v1;
	v1 =	vmul.u32 $0x10, v0;
	v4 =	vunpack.c.l.s4.s8 v4  }
0x6: {  	v5 =	vunpack.c.l.s4.s8 v5;
	v18 =	vunpack.c.l.s4.s8 v18;
	v19 =	vunpack.c.l.s4.s8 v19  }
0x7: {  	v20 =	vunpack.c.l.s4.s8 v20;
	v8 =	vunpack.c.0.s8.s32 v2;
	v2 =	vunpack.c.l.s4.s8 v3  }
0x8: {  	v3 =	vimm.s32 $0x10FEDCBA;
	v11 =	vunpack.c.0.s8.s32 v4;
	v12 =	vunpack.c.0.s8.s32 v5  }
0x9: {  	v18 =	vunpack.c.0.s8.s32 v18;
	v19 =	vunpack.c.0.s8.s32 v19;
	v3 =	vunpack.c.l.s4.s8 v3  }
0xa: {  	v20 =	vunpack.c.0.s8.s32 v20;
	v9 =	vunpack.c.0.s8.s32 v2;
	v2 =	vunpack.c.l.s4.s8 v6  }
0xb: {  	v24 =	vcombine.low v19, v18;
	v10 =	vunpack.c.0.s8.s32 v3;
	v3 =	vimm.s32 $0x3210FEDC  }
0xc: {  	v20 =	vand.u32 $0xF, v20;
	v13 =	vunpack.c.0.s8.s32 v2;
	v2 =	vunpack.c.l.s4.s8 v3  }
0xd: {  	v3 =	vimm.s32 $0xBA987654;
	v4 =	vcombine.low v9, v8;
	v63 =	vcombine.low v8, v9  }
0xe: {  	v9 =	vand.u32 $0xF, v24;
	v5 =	vcombine.low v11, v10;
	v3 =	vunpack.c.l.s4.s8 v3  }
0xf: {  	s5 =	rddreg [dreg:$0x0];
	v11 =	vcombine.low v10, v11;
	v6 =	vcombine.low v13, v12;
	v14 =	vunpack.c.0.s8.s32 v2  }
0x10: {  	s6 =	rddreg [dreg:$0x1];
	v2 =	vimm.s32 $0x43210FED;
	v12 =	vcombine.low v12, v13;
	v15 =	vunpack.c.0.s8.s32 v3  }
0x11: {  	s4 =	rddreg [dreg:$0x2];
	v7 =	vunpack.c.l.s4.s8 v2;
	v3 =	vand.u32 $0xF, v5;
	v5 =	vunpack.c.l.s4.s8 v16  }
0x12: {  	s7 =	rddreg [dreg:$0x3];
	v10 =	vand.u32 $0xF, v63;
	v2 =	vand.u32 $0xF, v4;
	v11 =	vand.u32 $0xF, v11  }
0x13: {  	s0 =	rddreg [dreg:$0x4];
	s1 =	simm.s32 $0x0;
	v4 =	vand.u32 $0xF, v6;
	v16 =	vunpack.c.0.s8.s32 v7;
	v17 =	vunpack.c.0.s8.s32 v5  }
0x14: {  	s8 =	srdreg.scid;
	s2 =	stileid.u32;
	s12 =	simm.s32 $0x2400;
	v5 =	vimm.s32 $0x543210FE;
	v7 =	vimm.s32 $0xDCBA9876;
	v13 =	vcombine.low v14, v15  }
0x15: {  	s13 =	simm.s32 $0x1;
	s14 =	simm.s32 $0x4400;
	s15 =	simm.s32 $0x0;
	v12 =	vand.u32 $0xF, v12;
	v5 =	vunpack.c.l.s4.s8 v5;
	v7 =	vunpack.c.l.s4.s8 v7  }
0x16: {  	[smem:$0x7FF] =	sst s1;
	s3 =	sadd.s32 $0xF42A00, s4;
	s8 =	sand.u32 $0x1, s8;
	v6 =	vcombine.low v15, v14;
	v14 =	vcombine.low v16, v17;
	v13 =	vand.u32 $0xF, v13  }
0x17: {  	s10 =	sshll.u32 s2, $0x7;
	s4 =	sadd.s32 $0x187000, s4;
	s9 =	ssub.s32 $0x2, s8;
	v22 =	vunpack.c.0.s8.s32 v5;
	v23 =	vunpack.c.0.s8.s32 v7;
	v7 =	vunpack.c.l.s4.s8 v21  }
0x18: {  	_ =	strace $0x80000047;
	s8 =	sshll.u32 s8, $0x6;
	s11 =	sshrl.u32 s9, $0x1;
	v5 =	vand.u32 $0xF, v6;
	v6 =	vcombine.low v17, v16;
	v16 =	vcombine.low v18, v19  }
0x19: {  	s8 =	sor.u32 s8, s10;
	s10 =	simm.s32 $0x200;
	s9 =	ssub.s32 s9, s11;
	v7 =	vunpack.c.0.s8.s32 v7;
	v62 =	vcombine.low v23, v22;
	v15 =	vcombine.low v22, v23  }
0x1a: {  	s5 =	sadd.s32 s5, s8;
	s6 =	sadd.s32 s6, s8;
	s7 =	sadd.s32 s7, s8;
	v14 =	vand.u32 $0xF, v14;
	v6 =	vand.u32 $0xF, v6;
	v16 =	vand.u32 $0xF, v16  }
0x1b: {  	s11 =	simm.s32 $0x400;
	s8 =	smax.u32 s9, $0x1;
	s9 =	simm.s32 $0x2;
	v7 =	vcombine.low v20, v7;
	v8 =	vand.u32 $0xF, v62;
	v15 =	vand.u32 $0xF, v15  }
.LBB2_1:
0x1c: {  	[tilespmem:s1], [sflag:$0x2] =	stream.linear.gather [hbm4b:s5+s1], $0x200, $0x38;
	[tilespmem:$0x4600] =	vst v63  }
0x1d: {  	_ =	swait.ge [sflag:s9], $0x200  }
0x1e: {  	[sflag:s9] =	ssyncset.done $0x0  }
0x1f: {  	[sflag:s9] =	ssyncadd.s32 $0xFFFFFE00  }
0x20: {  	[tilespmem:s10], [sflag:$0x2] =	stream.linear.gather [hbm4b:s6+s1], $0x200, $0x38;
	[tilespmem:$0x4600] =	vst v63  }
0x21: {  	_ =	swait.ge [sflag:s9], $0x200  }
0x22: {  	[sflag:s9] =	ssyncset.done $0x0  }
0x23: {  	[sflag:s9] =	ssyncadd.s32 $0xFFFFFE00  }
0x24: {  	[tilespmem:s11], [sflag:$0x1] =	stream.indirect.gather [hbm4b:s3+s10], $0x10, s1, s10, $0xb8;
	[tilespmem:$0x4600] =	vst v63  }
0x25: {  	v17 =	vmov s1  }
0x26: {  	v17 =	vshll.u32 v17, $0x4;
	[tilespmem:s12], [sflag:$0x1] =	stream.indirect.gather [hbm4b:s4+s10], $0x10, s10, s10, $0xb8;
	[tilespmem:$0x4600] =	vst v63  }
0x27: {  	v17 =	vor.u32 v1, v17;
	_ =	swait.ge [sflag:s13], $0x2000  }
0x28: {  	v18 =	vor.u32 v0, v17;
	[sflag:s13] =	ssyncset.done $0x0  }
0x29: {  	[sflag:s13] =	ssyncadd.s32 $0xFFFFE000  }
0x2a: {  	v19 =	vor.u32 v2, v17;
	_ =	swait.ge [sflag:s13], $0x2000  }
0x2b: {  	[sflag:s13] =	ssyncset.done $0x0  }
0x2c: {  	v20 =	vor.u32 v3, v17;
	[sflag:s13] =	ssyncadd.s32 $0xFFFFE000  }
0x2d: {  	v21 =	vld.idx.msk [tilespmem:v18+s12+$0x0], $0xffff  }
0x2e: {  	v22 =	vor.u32 v4, v17;
	v18 =	vld.idx.msk [tilespmem:v18+s11+$0x0], $0xffff  }
0x2f: {  	v23 =	vld.idx.msk [tilespmem:v19+s11+$0x0], $0xffff  }
0x30: {  	v24 =	vor.u32 v5, v17;
	v19 =	vld.idx.msk [tilespmem:v19+s12+$0x0], $0xffff  }
0x31: {  	v25 =	vld.idx.msk [tilespmem:v20+s11+$0x0], $0xffff  }
0x32: {  	v26 =	vor.u32 v6, v17;
	v20 =	vld.idx.msk [tilespmem:v20+s12+$0x0], $0xffff  }
0x33: {  	v27 =	vld.idx.msk [tilespmem:v22+s11+$0x0], $0xffff;
	v18 =	vmul.f32 v21, v18  }
0x34: {  	v21 =	vld.idx.msk [tilespmem:v22+s12+$0x0], $0xffff;
	v22 =	vor.u32 v8, v17  }
0x35: {  	v28 =	vld.idx.msk [tilespmem:v24+s11+$0x0], $0xffff;
	v19 =	vmul.f32 v19, v23;
	v18 =	vadd.f32 $0.0e+00, v18  }
0x36: {  	v61 =	vor.u32 v9, v17;
	v23 =	vld.idx.msk [tilespmem:v24+s12+$0x0], $0xffff  }
0x37: {  	v29 =	vld.idx.msk [tilespmem:v26+s11+$0x0], $0xffff;
	v18 =	vadd.f32 v19, v18;
	v19 =	vmul.f32 v20, v25  }
0x38: {  	v62 =	vor.u32 v7, v17;
	v20 =	vld.idx.msk [tilespmem:v26+s12+$0x0], $0xffff  }
0x39: {  	v63 =	vld.idx.msk [tilespmem:v22+s11+$0x0], $0xffff;
	v18 =	vadd.f32 v19, v18;
	v19 =	vmul.f32 v21, v27  }
0x3a: {  	v21 =	vld.idx.msk [tilespmem:v22+s12+$0x0], $0xffff;
	v22 =	vor.u32 v10, v17  }
0x3b: {  	v32 =	vld.idx.msk [tilespmem:v61+s11+$0x0], $0xffff;
	v18 =	vadd.f32 v19, v18;
	v19 =	vmul.f32 v23, v28  }
0x3c: {  	v33 =	vor.u32 v11, v17;
	v23 =	vld.idx.msk [tilespmem:v61+s12+$0x0], $0xffff  }
0x3d: {  	v34 =	vld.idx.msk [tilespmem:v62+s11+$0x0], $0xffff;
	v18 =	vadd.f32 v19, v18;
	v19 =	vmul.f32 v20, v29  }
0x3e: {  	v35 =	vor.u32 v12, v17;
	v20 =	vld.idx.msk [tilespmem:v62+s12+$0x0], $0xffff  }
0x3f: {  	v36 =	vld.idx.msk [tilespmem:v22+s11+$0x0], $0xffff;
	v18 =	vadd.f32 v19, v18;
	v19 =	vmul.f32 v21, v63  }
0x40: {  	v21 =	vld.idx.msk [tilespmem:v22+s12+$0x0], $0xffff;
	v22 =	vor.u32 v13, v17  }
0x41: {  	v37 =	vld.idx.msk [tilespmem:v33+s11+$0x0], $0xffff;
	v18 =	vadd.f32 v19, v18;
	v19 =	vmul.f32 v23, v32  }
0x42: {  	v38 =	vor.u32 v14, v17;
	v23 =	vld.idx.msk [tilespmem:v33+s12+$0x0], $0xffff  }
0x43: {  	v39 =	vld.idx.msk [tilespmem:v35+s11+$0x0], $0xffff;
	v18 =	vadd.f32 v19, v18;
	v19 =	vmul.f32 v20, v34  }
0x44: {  	v40 =	vor.u32 v15, v17;
	v20 =	vld.idx.msk [tilespmem:v35+s12+$0x0], $0xffff  }
0x45: {  	v41 =	vld.idx.msk [tilespmem:v22+s11+$0x0], $0xffff;
	v18 =	vadd.f32 v19, v18;
	v19 =	vmul.f32 v21, v36  }
0x46: {  	v17 =	vor.u32 v16, v17;
	v21 =	vld.idx.msk [tilespmem:v22+s12+$0x0], $0xffff  }
0x47: {  	v22 =	vld.idx.msk [tilespmem:v38+s11+$0x0], $0xffff;
	v18 =	vadd.f32 v19, v18;
	v19 =	vmul.f32 v23, v37  }
0x48: {  	v23 =	vld.idx.msk [tilespmem:v38+s12+$0x0], $0xffff  }
0x49: {  	v42 =	vld.idx.msk [tilespmem:v40+s11+$0x0], $0xffff;
	v18 =	vadd.f32 v19, v18;
	v19 =	vmul.f32 v20, v39  }
0x4a: {  	v20 =	vld.idx.msk [tilespmem:v40+s12+$0x0], $0xffff  }
0x4b: {  	v43 =	vld.idx.msk [tilespmem:v17+s11+$0x0], $0xffff;
	v18 =	vadd.f32 v19, v18;
	v19 =	vmul.f32 v21, v41  }
0x4c: {  	v17 =	vld.idx.msk [tilespmem:v17+s12+$0x0], $0xffff  }
0x4d: {  	s16 =	simm.s32 $0x10;
	v18 =	vadd.f32 v19, v18;
	v19 =	vmul.f32 v23, v22  }
0x4e: {  	v21 =	vmov s16  }
0x4f: {  	v21 =	vshll.u32 v21, $0x4;
	v18 =	vadd.f32 v19, v18;
	v19 =	vmul.f32 v20, v42  }
0x50: {  	v20 =	vor.u32 v1, v21  }
0x51: {  	v17 =	vmul.f32 v17, v43;
	v21 =	vor.u32 v0, v20;
	v18 =	vadd.f32 v19, v18;
	_ =	sdelay $0x1  }
0x52: {  	v19 =	vor.u32 v2, v20;
	v17 =	vadd.f32 v17, v18;
	_ =	sdelay $0x1  }
0x53: {  	v18 =	vor.u32 v3, v20;
	[tilespmem:s14+$0x0] =	vst v17  }
0x54: {  	v17 =	vld.idx.msk [tilespmem:v21+s12+$0x0], $0xffff  }
0x55: {  	v22 =	vor.u32 v4, v20;
	v21 =	vld.idx.msk [tilespmem:v21+s11+$0x0], $0xffff  }
0x56: {  	v23 =	vld.idx.msk [tilespmem:v19+s11+$0x0], $0xffff  }
0x57: {  	v44 =	vor.u32 v5, v20;
	v19 =	vld.idx.msk [tilespmem:v19+s12+$0x0], $0xffff  }
0x58: {  	v45 =	vld.idx.msk [tilespmem:v18+s11+$0x0], $0xffff  }
0x59: {  	v46 =	vor.u32 v6, v20;
	v18 =	vld.idx.msk [tilespmem:v18+s12+$0x0], $0xffff  }
0x5a: {  	v47 =	vld.idx.msk [tilespmem:v22+s11+$0x0], $0xffff;
	v17 =	vmul.f32 v17, v21  }
0x5b: {  	v21 =	vld.idx.msk [tilespmem:v22+s12+$0x0], $0xffff;
	v22 =	vor.u32 v8, v20  }
0x5c: {  	v48 =	vld.idx.msk [tilespmem:v44+s11+$0x0], $0xffff;
	v19 =	vmul.f32 v19, v23;
	v17 =	vadd.f32 $0.0e+00, v17  }
0x5d: {  	v49 =	vor.u32 v9, v20;
	v23 =	vld.idx.msk [tilespmem:v44+s12+$0x0], $0xffff  }
0x5e: {  	v50 =	vld.idx.msk [tilespmem:v46+s11+$0x0], $0xffff;
	v18 =	vmul.f32 v18, v45;
	v17 =	vadd.f32 v19, v17  }
0x5f: {  	v51 =	vor.u32 v7, v20;
	v19 =	vld.idx.msk [tilespmem:v46+s12+$0x0], $0xffff  }
0x60: {  	v52 =	vld.idx.msk [tilespmem:v22+s11+$0x0], $0xffff;
	v17 =	vadd.f32 v18, v17;
	v18 =	vmul.f32 v21, v47  }
0x61: {  	v21 =	vld.idx.msk [tilespmem:v22+s12+$0x0], $0xffff;
	v22 =	vor.u32 v10, v20  }
0x62: {  	v53 =	vld.idx.msk [tilespmem:v49+s11+$0x0], $0xffff;
	v17 =	vadd.f32 v18, v17;
	v18 =	vmul.f32 v23, v48  }
0x63: {  	v54 =	vor.u32 v11, v20;
	v23 =	vld.idx.msk [tilespmem:v49+s12+$0x0], $0xffff  }
0x64: {  	v55 =	vld.idx.msk [tilespmem:v51+s11+$0x0], $0xffff;
	v17 =	vadd.f32 v18, v17;
	v18 =	vmul.f32 v19, v50  }
0x65: {  	v56 =	vor.u32 v12, v20;
	v19 =	vld.idx.msk [tilespmem:v51+s12+$0x0], $0xffff  }
0x66: {  	v57 =	vld.idx.msk [tilespmem:v22+s11+$0x0], $0xffff;
	v17 =	vadd.f32 v18, v17;
	v18 =	vmul.f32 v21, v52  }
0x67: {  	v21 =	vld.idx.msk [tilespmem:v22+s12+$0x0], $0xffff;
	v22 =	vor.u32 v13, v20  }
0x68: {  	v58 =	vld.idx.msk [tilespmem:v54+s11+$0x0], $0xffff;
	v17 =	vadd.f32 v18, v17;
	v18 =	vmul.f32 v23, v53  }
0x69: {  	v23 =	vld.idx.msk [tilespmem:v54+s12+$0x0], $0xffff  }
0x6a: {  	v60 =	vld.idx.msk [tilespmem:v56+s11+$0x0], $0xffff;
	v17 =	vadd.f32 v18, v17;
	v18 =	vmul.f32 v19, v55  }
0x6b: {  	v59 =	vor.u32 v14, v20;
	v19 =	vld.idx.msk [tilespmem:v56+s12+$0x0], $0xffff  }
0x6c: {  	v62 =	vld.idx.msk [tilespmem:v22+s11+$0x0], $0xffff;
	v17 =	vadd.f32 v18, v17;
	v18 =	vmul.f32 v21, v57  }
0x6d: {  	v61 =	vor.u32 v15, v20;
	v21 =	vld.idx.msk [tilespmem:v22+s12+$0x0], $0xffff  }
0x6e: {  	v17 =	vadd.f32 v18, v17;
	v18 =	vmul.f32 v23, v58  }
0x6f: {  	v20 =	vor.u32 v16, v20  }
0x70: {  	v22 =	vld.idx.msk [tilespmem:v59+s11+$0x0], $0xffff;
	v17 =	vadd.f32 v18, v17;
	v18 =	vmul.f32 v19, v60  }
0x71: {  	v23 =	vld.idx.msk [tilespmem:v59+s12+$0x0], $0xffff  }
0x72: {  	v63 =	vld.idx.msk [tilespmem:v61+s11+$0x0], $0xffff;
	v17 =	vadd.f32 v18, v17;
	v18 =	vmul.f32 v21, v62  }
0x73: {  	v25 =	vld.idx.msk [tilespmem:v61+s12+$0x0], $0xffff  }
0x74: {  	v19 =	vadd.f32 v18, v17;
	v17 =	vld.idx.msk [tilespmem:v20+s11+$0x0], $0xffff  }
0x75: {  	v18 =	vld.idx.msk [tilespmem:v20+s12+$0x0], $0xffff  }
0x76: {  	s31 =	simm.s32 $0x20;
	v21 =	vmul.f32 v23, v22  }
0x77: {  	v22 =	vmov s31  }
0x78: {  	s17 =	simm.s32 $0x30;
	s16 =	simm.s32 $0x4400;
	v20 =	vshll.u32 v22, $0x4;
	v19 =	vadd.f32 v21, v19;
	v21 =	vmul.f32 v25, v63  }
.LBB2_2:
0x79: {  	p0 =	sne.s32 s17, $0x1F0;
	v20 =	vor.u32 v1, v20  }
0x7a: {  	v17 =	vmul.f32 v18, v17;
	v22 =	vor.u32 v0, v20;
	v19 =	vadd.f32 v21, v19;
	_ =	sdelay $0x1  }
0x7b: {  	v18 =	vor.u32 v2, v20;
	v17 =	vadd.f32 v17, v19  }
0x7c: {  	s16 =	sadd.s32 $0x10, s16  }
0x7d: {  	v19 =	vor.u32 v3, v20;
	[tilespmem:s16+$0x0] =	vst v17  }
0x7e: {  	v17 =	vld.idx.msk [tilespmem:v22+s12+$0x0], $0xffff  }
0x7f: {  	v21 =	vld.idx.msk [tilespmem:v22+s11+$0x0], $0xffff;
	v22 =	vor.u32 v4, v20  }
0x80: {  	v23 =	vld.idx.msk [tilespmem:v18+s11+$0x0], $0xffff  }
0x81: {  	v24 =	vor.u32 v5, v20;
	v18 =	vld.idx.msk [tilespmem:v18+s12+$0x0], $0xffff  }
0x82: {  	v25 =	vld.idx.msk [tilespmem:v19+s11+$0x0], $0xffff  }
0x83: {  	v26 =	vor.u32 v6, v20;
	v19 =	vld.idx.msk [tilespmem:v19+s12+$0x0], $0xffff  }
0x84: {  	v27 =	vld.idx.msk [tilespmem:v22+s11+$0x0], $0xffff  }
0x85: {  	v17 =	vmul.f32 v17, v21;
	v21 =	vld.idx.msk [tilespmem:v22+s12+$0x0], $0xffff;
	v22 =	vor.u32 v8, v20  }
0x86: {  	v28 =	vld.idx.msk [tilespmem:v24+s11+$0x0], $0xffff  }
0x87: {  	v17 =	vadd.f32 $0.0e+00, v17;
	v18 =	vmul.f32 v18, v23;
	v23 =	vld.idx.msk [tilespmem:v24+s12+$0x0], $0xffff;
	v24 =	vor.u32 v9, v20  }
0x88: {  	v29 =	vld.idx.msk [tilespmem:v26+s11+$0x0], $0xffff  }
0x89: {  	v17 =	vadd.f32 v18, v17;
	v18 =	vmul.f32 v19, v25;
	v25 =	vor.u32 v7, v20;
	v19 =	vld.idx.msk [tilespmem:v26+s12+$0x0], $0xffff  }
0x8a: {  	v26 =	vld.idx.msk [tilespmem:v22+s11+$0x0], $0xffff  }
0x8b: {  	v17 =	vadd.f32 v18, v17;
	v18 =	vmul.f32 v21, v27;
	v21 =	vld.idx.msk [tilespmem:v22+s12+$0x0], $0xffff;
	v22 =	vor.u32 v10, v20  }
0x8c: {  	v27 =	vld.idx.msk [tilespmem:v24+s11+$0x0], $0xffff  }
0x8d: {  	v17 =	vadd.f32 v18, v17;
	v18 =	vmul.f32 v23, v28;
	v23 =	vld.idx.msk [tilespmem:v24+s12+$0x0], $0xffff;
	v24 =	vor.u32 v11, v20  }
0x8e: {  	v28 =	vld.idx.msk [tilespmem:v25+s11+$0x0], $0xffff  }
0x8f: {  	v17 =	vadd.f32 v18, v17;
	v18 =	vmul.f32 v19, v29;
	v19 =	vld.idx.msk [tilespmem:v25+s12+$0x0], $0xffff;
	v25 =	vor.u32 v12, v20  }
0x90: {  	v29 =	vld.idx.msk [tilespmem:v22+s11+$0x0], $0xffff  }
0x91: {  	v17 =	vadd.f32 v18, v17;
	v18 =	vmul.f32 v21, v26;
	v21 =	vld.idx.msk [tilespmem:v22+s12+$0x0], $0xffff;
	v22 =	vor.u32 v13, v20  }
0x92: {  	v26 =	vld.idx.msk [tilespmem:v24+s11+$0x0], $0xffff  }
0x93: {  	v17 =	vadd.f32 v18, v17;
	v18 =	vmul.f32 v23, v27;
	v23 =	vld.idx.msk [tilespmem:v24+s12+$0x0], $0xffff;
	v24 =	vor.u32 v14, v20  }
0x94: {  	v27 =	vld.idx.msk [tilespmem:v25+s11+$0x0], $0xffff  }
0x95: {  	v17 =	vadd.f32 v18, v17;
	v18 =	vmul.f32 v19, v28;
	v19 =	vld.idx.msk [tilespmem:v25+s12+$0x0], $0xffff;
	v25 =	vor.u32 v15, v20  }
0x96: {  	v28 =	vld.idx.msk [tilespmem:v22+s11+$0x0], $0xffff  }
0x97: {  	v20 =	vor.u32 v16, v20;
	v17 =	vadd.f32 v18, v17;
	v18 =	vmul.f32 v21, v29;
	v21 =	vld.idx.msk [tilespmem:v22+s12+$0x0], $0xffff  }
0x98: {  	v22 =	vld.idx.msk [tilespmem:v24+s11+$0x0], $0xffff  }
0x99: {  	v17 =	vadd.f32 v18, v17;
	v18 =	vmul.f32 v23, v26;
	v23 =	vld.idx.msk [tilespmem:v24+s12+$0x0], $0xffff  }
0x9a: {  	v24 =	vld.idx.msk [tilespmem:v25+s11+$0x0], $0xffff  }
0x9b: {  	v18 =	vadd.f32 v18, v17;
	v19 =	vmul.f32 v19, v27;
	v25 =	vld.idx.msk [tilespmem:v25+s12+$0x0], $0xffff  }
0x9c: {  	v17 =	vld.idx.msk [tilespmem:v20+s11+$0x0], $0xffff  }
.Ltmp0:
0x9d: {  	v19 =	vadd.f32 v19, v18;
	v21 =	vmul.f32 v21, v28;
	v18 =	vld.idx.msk [tilespmem:v20+s12+$0x0], $0xffff;
	(pc) =	sbr.rel @p0 .LBB2_2-.Ltmp0, $4  }
0x9e: {  	_ = 	snop  }
0x9f: {  	v19 =	vadd.f32 v21, v19;
	v21 =	vmul.f32 v23, v22  }
0xa0: {  	v20 =	vmov s17  }
0xa1: {  	s17 =	sadd.s32 $0x10, s17;
	v20 =	vshll.u32 v20, $0x4;
	v19 =	vadd.f32 v21, v19;
	v21 =	vmul.f32 v25, v24  }
0xa2: {  	v20 =	vor.u32 v1, v20  }
0xa3: {  	v17 =	vmul.f32 v18, v17;
	v22 =	vor.u32 v0, v20;
	v19 =	vadd.f32 v21, v19;
	_ =	sdelay $0x1  }
0xa4: {  	v18 =	vor.u32 v2, v20;
	v17 =	vadd.f32 v17, v19  }
0xa5: {  	s16 =	sadd.s32 $0x10, s16  }
0xa6: {  	v19 =	vor.u32 v3, v20;
	[tilespmem:s16+$0x0] =	vst v17  }
0xa7: {  	v17 =	vld.idx.msk [tilespmem:v22+s12+$0x0], $0xffff  }
0xa8: {  	v36 =	vor.u32 v4, v20;
	v35 =	vld.idx.msk [tilespmem:v22+s11+$0x0], $0xffff  }
0xa9: {  	v23 =	vld.idx.msk [tilespmem:v18+s11+$0x0], $0xffff  }
0xaa: {  	v24 =	vor.u32 v5, v20;
	v18 =	vld.idx.msk [tilespmem:v18+s12+$0x0], $0xffff  }
0xab: {  	v25 =	vld.idx.msk [tilespmem:v19+s11+$0x0], $0xffff  }
0xac: {  	v26 =	vor.u32 v6, v20;
	v19 =	vld.idx.msk [tilespmem:v19+s12+$0x0], $0xffff  }
0xad: {  	v27 =	vld.idx.msk [tilespmem:v36+s11+$0x0], $0xffff;
	v17 =	vmul.f32 v17, v35  }
0xae: {  	v38 =	vor.u32 v8, v20;
	v37 =	vld.idx.msk [tilespmem:v36+s12+$0x0], $0xffff  }
0xaf: {  	v28 =	vld.idx.msk [tilespmem:v24+s11+$0x0], $0xffff;
	v18 =	vmul.f32 v18, v23;
	v17 =	vadd.f32 $0.0e+00, v17  }
0xb0: {  	v40 =	vor.u32 v9, v20;
	v39 =	vld.idx.msk [tilespmem:v24+s12+$0x0], $0xffff  }
0xb1: {  	v29 =	vld.idx.msk [tilespmem:v26+s11+$0x0], $0xffff;
	v17 =	vadd.f32 v18, v17;
	v18 =	vmul.f32 v19, v25  }
0xb2: {  	v41 =	vor.u32 v7, v20;
	v19 =	vld.idx.msk [tilespmem:v26+s12+$0x0], $0xffff  }
0xb3: {  	v42 =	vld.idx.msk [tilespmem:v38+s11+$0x0], $0xffff;
	v17 =	vadd.f32 v18, v17;
	v18 =	vmul.f32 v37, v27  }
0xb4: {  	v44 =	vor.u32 v10, v20;
	v43 =	vld.idx.msk [tilespmem:v38+s12+$0x0], $0xffff  }
0xb5: {  	v45 =	vld.idx.msk [tilespmem:v40+s11+$0x0], $0xffff;
	v17 =	vadd.f32 v18, v17;
	v18 =	vmul.f32 v39, v28  }
0xb6: {  	v47 =	vor.u32 v11, v20;
	v46 =	vld.idx.msk [tilespmem:v40+s12+$0x0], $0xffff  }
0xb7: {  	v48 =	vld.idx.msk [tilespmem:v41+s11+$0x0], $0xffff;
	v17 =	vadd.f32 v18, v17;
	v18 =	vmul.f32 v19, v29  }
0xb8: {  	v49 =	vor.u32 v12, v20;
	v19 =	vld.idx.msk [tilespmem:v41+s12+$0x0], $0xffff  }
0xb9: {  	v50 =	vld.idx.msk [tilespmem:v44+s11+$0x0], $0xffff;
	v17 =	vadd.f32 v18, v17;
	v18 =	vmul.f32 v43, v42  }
0xba: {  	v52 =	vor.u32 v13, v20;
	v51 =	vld.idx.msk [tilespmem:v44+s12+$0x0], $0xffff  }
0xbb: {  	v53 =	vld.idx.msk [tilespmem:v47+s11+$0x0], $0xffff;
	v17 =	vadd.f32 v18, v17;
	v18 =	vmul.f32 v46, v45  }
0xbc: {  	v55 =	vor.u32 v14, v20;
	v54 =	vld.idx.msk [tilespmem:v47+s12+$0x0], $0xffff  }
0xbd: {  	v56 =	vld.idx.msk [tilespmem:v49+s11+$0x0], $0xffff;
	v17 =	vadd.f32 v18, v17;
	v18 =	vmul.f32 v19, v48  }
0xbe: {  	v57 =	vor.u32 v15, v20;
	v19 =	vld.idx.msk [tilespmem:v49+s12+$0x0], $0xffff  }
0xbf: {  	v58 =	vld.idx.msk [tilespmem:v52+s11+$0x0], $0xffff;
	v17 =	vadd.f32 v18, v17;
	v18 =	vmul.f32 v51, v50  }
0xc0: {  	v20 =	vor.u32 v16, v20;
	v59 =	vld.idx.msk [tilespmem:v52+s12+$0x0], $0xffff  }
0xc1: {  	v60 =	vld.idx.msk [tilespmem:v55+s11+$0x0], $0xffff;
	v17 =	vadd.f32 v18, v17;
	v18 =	vmul.f32 v54, v53  }
0xc2: {  	v61 =	vld.idx.msk [tilespmem:v55+s12+$0x0], $0xffff  }
0xc3: {  	v62 =	vld.idx.msk [tilespmem:v57+s11+$0x0], $0xffff;
	v17 =	vadd.f32 v18, v17;
	v18 =	vmul.f32 v19, v56  }
0xc4: {  	v19 =	vld.idx.msk [tilespmem:v57+s12+$0x0], $0xffff  }
0xc5: {  	v63 =	vld.idx.msk [tilespmem:v20+s11+$0x0], $0xffff;
	v17 =	vadd.f32 v18, v17;
	v18 =	vmul.f32 v59, v58  }
0xc6: {  	v20 =	vld.idx.msk [tilespmem:v20+s12+$0x0], $0xffff  }
0xc7: {  	v17 =	vadd.f32 v18, v17;
	v18 =	vmul.f32 v61, v60;
	_ =	sdelay $0x1  }
0xc8: {  	v17 =	vadd.f32 v18, v17;
	v18 =	vmul.f32 v19, v62;
	_ =	sdelay $0x1  }
0xc9: {  	v17 =	vadd.f32 v18, v17;
	v18 =	vmul.f32 v20, v63;
	_ =	sdelay $0x1  }
0xca: {  	s15 =	sadd.s32 $0x1, s15;
	v17 =	vadd.f32 v18, v17  }
0xcb: {  	p0 =	sne.s32 s15, s8;
	s16 =	sadd.s32 $0x10, s16  }
.Ltmp1:
0xcc: {  	[tilespmem:s16+$0x0] =	vst v17;
	(pc) =	sbr.rel @p0 .LBB2_1-.Ltmp1, $4  }
0xcd: {  	[hbm4b:s7+s1] =	stream.linear.scatter [tilespmem:s14], [sflag:$0x2], $0x200, $0x38;
	[tilespmem:$0x4600] =	vst v63  }
0xce: {  	_ =	swait.ge [sflag:s9], $0x200  }
0xcf: {  	[sflag:s9] =	ssyncset.done $0x0  }
0xd0: {  	[sflag:s9] =	ssyncadd.s32 $0xFFFFFE00  }
0xd1: {  	_ =	sfence.sel $0x180000  }
0xd2: {  	[bflag:$0x0] =	sbarrier.arrive $0xFFFF  }
0xd3: {  	p0 =	sne.s32 s2, $0x0;
	_ =	strace $0x90000047  }
0xd4: {  	s0 =	sadd.s32 @!p0 $0x100000, s0;
	[bflag:$0x2] =	sbarrier.arrive $0xFFFF  }
0xd5: {  	[sflag:s0] =	ssyncadd.tile.s32 @!p0 $0x1;
	_ =	shalt  }
.Lfunc_end2:
_tile_overlayer_lowered:
.L_overlay_start_2:
0xd6: {  	(tag) =	ssettag $0x2  }
0xd7: {  	s0 =	rddreg [dreg:$0x0];
	s2 =	stileid.u32  }
0xd8: {  	s1 =	rddreg [dreg:$0x1];
	p0 =	sne.s32 s2, $0x0  }
0xd9: {  	s3 =	rddreg [dreg:$0x2];
	[bflag:$0x3] =	sbarrier.arrive $0xFFFF;
	s2 =	simm.s32 @!p0 $0x1C02  }
0xda: {  	[timem:s3], [sflag:s2] =	dma.local @!p0 [hbm:s0], s1  }
0xdb: {  	s0 =	simm.s32 @!p0 $0x2  }
0xdc: {  	_ =	swait.ge @!p0 [sflag:s0], s1  }
0xdd: {  	s1 =	ssub.s32 @!p0 $0x0, s1;
	[sflag:s0] =	ssyncset.done @!p0 $0x0  }
0xde: {  	[sflag:s0] =	ssyncadd.s32 @!p0 s1  }
0xdf: {  	[bflag:$0x3] =	sbarrier.arrive $0xFFFF  }
0xe0: {  	_ =	shalt  }

</sc_bundles>
